<compile_context>
chip_gen: v7x
topology: tpu7x:2x2x1
jax: 0.10.2.dev20260603
libtpu: 0.0.44.dev20260713+nightly
codegen_flags: <defaults>
</compile_context>

<pallas_src>
import jax
import jax.numpy as jnp
from jax import lax
from jax.experimental import pallas as pl
from jax.experimental.pallas import tpu as pltpu
from jax.experimental.pallas import tpu_sc as plsc

N_TOKENS = 8192
D_IN = 384
D_CODE = 32
N_CODES = 8192
TILE_T = 256
N_TILES = N_TOKENS // TILE_T
TILE_C = 1024
N_TILES_C = N_TOKENS // TILE_C

SC_CORES = 2
SC_SUBCORES = 16
SC_WORKERS = SC_CORES * SC_SUBCORES
ROWS_PER_WORKER = N_TOKENS // SC_WORKERS
GATHER_CHUNK = 128
N_CHUNKS = ROWS_PER_WORKER // GATHER_CHUNK


def _argmin_kernel(z_ref, cwt_ref, cb_ref, embt_ref, idx_ref):
    zc = jnp.dot(z_ref[...], cwt_ref[...],
                 preferred_element_type=jnp.float32) + cb_ref[...]
    embt = embt_ref[...]
    esq = jnp.sum(embt * embt, axis=0, keepdims=True)
    asq = jnp.sum(zc * zc, axis=1, keepdims=True)
    s = jnp.dot(zc, embt, preferred_element_type=jnp.float32)
    d = (asq + esq) - 2.0 * s
    dmin = jnp.min(d, axis=1, keepdims=True)
    iota = lax.broadcasted_iota(jnp.int32, d.shape, 1)
    idx = jnp.min(jnp.where(d == dmin, iota, N_CODES), axis=1)
    idx_ref[...] = idx.astype(jnp.int32).reshape(1, 1, TILE_T)


def _expand_kernel(zq_ref, z_ref, cwt_ref, cb_ref, ewt_ref, eb_ref,
                   out_ref, loss_ref):
    i = pl.program_id(0)
    zq = zq_ref[...]
    zc = jnp.dot(z_ref[...], cwt_ref[...],
                 preferred_element_type=jnp.float32) + cb_ref[...]
    diff = zq - zc
    part = (3.0 / (N_TOKENS * D_CODE)) * jnp.sum(diff * diff)

    @pl.when(i == 0)
    def _():
        loss_ref[...] = jnp.zeros_like(loss_ref)

    loss_ref[...] += part.reshape(1, 1)
    out_ref[...] = jnp.dot(zq, ewt_ref[...],
                           preferred_element_type=jnp.float32) + eb_ref[...]


def _sc_gather(emb_hbm, idx_hbm, zq_hbm, idx_v, rows_v, sem):
    wid = lax.axis_index("s") * SC_CORES + lax.axis_index("c")
    base = wid * ROWS_PER_WORKER
    for j in range(N_CHUNKS):
        pltpu.sync_copy(idx_hbm.at[pl.ds(base + j * GATHER_CHUNK,
                                         GATHER_CHUNK)], idx_v.at[j])
    for j in range(N_CHUNKS):
        pltpu.async_copy(emb_hbm.at[idx_v.at[j]],
                         rows_v.at[pl.ds(j * GATHER_CHUNK, GATHER_CHUNK)],
                         sem).wait()
    pltpu.sync_copy(rows_v, zq_hbm.at[pl.ds(base, ROWS_PER_WORKER)])


def kernel(z, emb_weight, compress_w, compress_b, expand_w, expand_b):
    z2d = z.reshape(N_TOKENS, D_IN)
    cwt = compress_w.T
    embt = emb_weight.T
    ewt = expand_w.T
    cb = compress_b.reshape(1, D_CODE)
    eb = expand_b.reshape(1, D_IN)

    idx3 = pl.pallas_call(
        _argmin_kernel,
        grid=(N_TILES,),
        in_specs=[
            pl.BlockSpec((TILE_T, D_IN), lambda i: (i, 0)),
            pl.BlockSpec((D_IN, D_CODE), lambda i: (0, 0)),
            pl.BlockSpec((1, D_CODE), lambda i: (0, 0)),
            pl.BlockSpec((D_CODE, N_CODES), lambda i: (0, 0)),
        ],
        out_specs=pl.BlockSpec((1, 1, TILE_T), lambda i: (i, 0, 0)),
        out_shape=jax.ShapeDtypeStruct((N_TILES, 1, TILE_T), jnp.int32),
    )(z2d, cwt, cb, embt)
    indices = idx3.reshape(N_TOKENS)

    gather = pl.kernel(
        _sc_gather,
        out_type=jax.ShapeDtypeStruct((N_TOKENS, D_CODE), jnp.float32),
        mesh=plsc.VectorSubcoreMesh(core_axis_name="c", subcore_axis_name="s"),
        scratch_types=[
            pltpu.VMEM((N_CHUNKS, GATHER_CHUNK), jnp.int32),
            pltpu.VMEM((ROWS_PER_WORKER, D_CODE), jnp.float32),
            pltpu.SemaphoreType.DMA,
        ],
        compiler_params=pltpu.CompilerParams(use_tc_tiling_on_sc=False),
    )
    z_q = gather(emb_weight, indices)

    out2d, loss11 = pl.pallas_call(
        _expand_kernel,
        grid=(N_TILES_C,),
        in_specs=[
            pl.BlockSpec((TILE_C, D_CODE), lambda i: (i, 0)),
            pl.BlockSpec((TILE_C, D_IN), lambda i: (i, 0)),
            pl.BlockSpec((D_IN, D_CODE), lambda i: (0, 0)),
            pl.BlockSpec((1, D_CODE), lambda i: (0, 0)),
            pl.BlockSpec((D_CODE, D_IN), lambda i: (0, 0)),
            pl.BlockSpec((1, D_IN), lambda i: (0, 0)),
        ],
        out_specs=[
            pl.BlockSpec((TILE_C, D_IN), lambda i: (i, 0)),
            pl.BlockSpec((1, 1), lambda i: (0, 0)),
        ],
        out_shape=[
            jax.ShapeDtypeStruct((N_TOKENS, D_IN), jnp.float32),
            jax.ShapeDtypeStruct((1, 1), jnp.float32),
        ],
    )(z_q, z2d, cwt, cb, ewt, eb)

    out = out2d.reshape(z.shape)
    loss = loss11.reshape(())
    return (out, loss)

# --- scband reference (transcript-rebuilt; emitter-appended) ---
"""Pipeline reference for scband-vector-quantizer-1271310319899 (READ-ONLY COPY).

The authoritative reference and input builder live on the scoring server;
editing this copy changes nothing except your own understanding.
"""

import jax, jax.numpy as jnp
import numpy as np


def setup_inputs(seed: int = 0) -> dict:
    key = jax.random.key(seed)
    k1, k2, k3, k4 = jax.random.split(key, 4)
    z = jax.random.normal(k1, (8, 1024, 384), dtype=jnp.float32)
    # embedding weight: trunc_normal_(mean=0, std=1, a=-3, b=3) approximated by clipped normal
    emb_weight = jnp.clip(jax.random.normal(k2, (8192, 32), dtype=jnp.float32), -3.0, 3.0)
    # nn.Linear(channels_in=384 -> channels_dim=32): weight [out, in], bias [out]
    compress_w = jax.random.normal(k3, (32, 384), dtype=jnp.float32) * (1.0 / np.sqrt(384))
    compress_b = jnp.zeros((32,), dtype=jnp.float32)
    # nn.Linear(channels_dim=32 -> channels_in=384)
    expand_w = jax.random.normal(k4, (384, 32), dtype=jnp.float32) * (1.0 / np.sqrt(32))
    expand_b = jnp.zeros((384,), dtype=jnp.float32)
    return {"z": z, "emb_weight": emb_weight, "compress_w": compress_w,
            "compress_b": compress_b, "expand_w": expand_w, "expand_b": expand_b}


def reference(z, emb_weight, compress_w, compress_b, expand_w, expand_b):
    sg = jax.lax.stop_gradient
    # z = self.compress(z)
    zc = jnp.dot(z, compress_w.T) + compress_b
    z_flattened = zc.reshape(-1, zc.shape[-1])  # [N, code_dim]
    # d = |z|^2 + |e|^2 - 2 z e^T
    d = (jnp.sum(z_flattened ** 2, axis=1, keepdims=True)
         + jnp.sum(emb_weight ** 2, axis=1)
         - 2.0 * jnp.dot(z_flattened, emb_weight.T))
    indices = jnp.argmin(d, axis=1)
    # z_q = self.embedding(indices)
    z_q = jnp.take(emb_weight, indices, axis=0)
    # training branch: commitment / codebook loss + straight-through estimator
    loss_dict = (jnp.mean((sg(z_q) - z_flattened) ** 2)
                 + 2.0 * jnp.mean((z_q - sg(z_flattened)) ** 2))
    z_q = sg(z_q) + (z_flattened - sg(z_flattened))
    z_q = z_q.reshape(zc.shape)
    # z_q = self.expand(z_q)
    out = jnp.dot(z_q, expand_w.T) + expand_b
    return (out, loss_dict)

if __name__ == "__main__":
    import jax
    _d = setup_inputs()
    print(jax.jit(kernel)(*tuple(_d.values())))

</pallas_src>

<mosaic_0001>
#map = affine_map<(d0, d1) -> (0, 0)>
#map1 = affine_map<(d0, d1) -> (0)>
module attributes {stable_mosaic.version = 14 : i64} {
  func.func @_sc_gather(%arg0: i32, %arg1: i32, %arg2: memref<8192x32xf32, #tpu.memory_space<hbm>>, %arg3: memref<8192xi32, #tpu.memory_space<hbm>>, %arg4: memref<8192x32xf32, #tpu.memory_space<hbm>>, %arg5: memref<2x128xi32, #tpu.memory_space<vmem>>, %arg6: memref<256x32xf32, #tpu.memory_space<vmem>>, %arg7: memref<!tpu.dma_semaphore, #tpu.memory_space<semaphore_mem>>) attributes {dimension_semantics = [#tpu.dimension_semantics<core_parallel>, #tpu.dimension_semantics<subcore_parallel>], iteration_bounds = array<i64: 2, 16>, scalar_prefetch = 0 : i64, scratch_operands = 3 : i64, tpu.core_type = #tpu.core_type<sc_vector_subcore>, window_params = [{transform_indices = #map}, {transform_indices = #map1}, {transform_indices = #map}]} {
    %mul3A = arith.constant 2 : i32
    %mul3A_0 = arith.muli %arg1, %mul3A : i32
    %add3A = arith.addi %mul3A_0, %arg0 : i32
    %mul3A_1 = arith.constant 256 : i32
    %mul3A_2 = arith.muli %add3A, %mul3A_1 : i32
    %add3A_3 = arith.constant 0 : i32
    %add3A_4 = arith.addi %mul3A_2, %add3A_3 : i32
    %run_scoped3A = arith.constant 0 : i32
    "tpu.region"() ({
      %run_scoped3A_46 = tpu.sem_alloc : memref<!tpu.dma_semaphore, #tpu.memory_space<semaphore_mem>>
      %dma_start3A_47 = arith.constant 0 : i32
      %dma_start3A_48 = tpu.memref_slice %arg5[%run_scoped3A, %dma_start3A_47] : memref<2x128xi32, #tpu.memory_space<vmem>> -> memref<1x128xi32, #tpu.memory_space<vmem>>
      %dma_start3A_49 = tpu.memref_squeeze %dma_start3A_48 : memref<1x128xi32, #tpu.memory_space<vmem>> -> memref<128xi32, #tpu.memory_space<vmem>>
      %dma_start3A_50 = tpu.memref_slice %arg3[%add3A_4] : memref<8192xi32, #tpu.memory_space<hbm>> -> memref<128xi32, #tpu.memory_space<hbm>>
      %dma_start3A_51 = arith.constant 0 : i32
      %dma_start3A_52 = tpu.memref_slice %arg5[%run_scoped3A, %dma_start3A_51] : memref<2x128xi32, #tpu.memory_space<vmem>> -> memref<1x128xi32, #tpu.memory_space<vmem>>
      %dma_start3A_53 = tpu.memref_squeeze %dma_start3A_52 : memref<1x128xi32, #tpu.memory_space<vmem>> -> memref<128xi32, #tpu.memory_space<vmem>>
      %dma_start3A_54 = tpu.memref_slice %arg3[%add3A_4] : memref<8192xi32, #tpu.memory_space<hbm>> -> memref<128xi32, #tpu.memory_space<hbm>>
      tpu.enqueue_dma source(%dma_start3A_54 : memref<128xi32, #tpu.memory_space<hbm>>) target(%dma_start3A_53 : memref<128xi32, #tpu.memory_space<vmem>>) target_semaphore(%run_scoped3A_46 : memref<!tpu.dma_semaphore, #tpu.memory_space<semaphore_mem>>)
      %dma_wait3A_55 = arith.constant 0 : i32
      %dma_wait3A_56 = tpu.memref_slice %arg5[%run_scoped3A, %dma_wait3A_55] : memref<2x128xi32, #tpu.memory_space<vmem>> -> memref<1x128xi32, #tpu.memory_space<vmem>>
      %dma_wait3A_57 = tpu.memref_squeeze %dma_wait3A_56 : memref<1x128xi32, #tpu.memory_space<vmem>> -> memref<128xi32, #tpu.memory_space<vmem>>
      %dma_wait3A_58 = tpu.memref_slice %arg3[%add3A_4] : memref<8192xi32, #tpu.memory_space<hbm>> -> memref<128xi32, #tpu.memory_space<hbm>>
      %dma_wait3A_59 = arith.constant 0 : i32
      %dma_wait3A_60 = tpu.memref_slice %arg5[%run_scoped3A, %dma_wait3A_59] : memref<2x128xi32, #tpu.memory_space<vmem>> -> memref<1x128xi32, #tpu.memory_space<vmem>>
      %dma_wait3A_61 = tpu.memref_squeeze %dma_wait3A_60 : memref<1x128xi32, #tpu.memory_space<vmem>> -> memref<128xi32, #tpu.memory_space<vmem>>
      %dma_wait3A_62 = tpu.memref_slice %arg3[%add3A_4] : memref<8192xi32, #tpu.memory_space<hbm>> -> memref<128xi32, #tpu.memory_space<hbm>>
      tpu.wait_dma2 semaphore(%run_scoped3A_46 : memref<!tpu.dma_semaphore, #tpu.memory_space<semaphore_mem>>) src(%dma_wait3A_62 : memref<128xi32, #tpu.memory_space<hbm>>) dst(%dma_wait3A_61 : memref<128xi32, #tpu.memory_space<vmem>>)
      tpu.yield
    }) : () -> ()
    %add3A_5 = arith.constant 128 : i32
    %add3A_6 = arith.addi %mul3A_2, %add3A_5 : i32
    %run_scoped3A_7 = arith.constant 1 : i32
    "tpu.region"() ({
      %run_scoped3A_46 = tpu.sem_alloc : memref<!tpu.dma_semaphore, #tpu.memory_space<semaphore_mem>>
      %dma_start3A_47 = arith.constant 0 : i32
      %dma_start3A_48 = tpu.memref_slice %arg5[%run_scoped3A_7, %dma_start3A_47] : memref<2x128xi32, #tpu.memory_space<vmem>> -> memref<1x128xi32, #tpu.memory_space<vmem>>
      %dma_start3A_49 = tpu.memref_squeeze %dma_start3A_48 : memref<1x128xi32, #tpu.memory_space<vmem>> -> memref<128xi32, #tpu.memory_space<vmem>>
      %dma_start3A_50 = tpu.memref_slice %arg3[%add3A_6] : memref<8192xi32, #tpu.memory_space<hbm>> -> memref<128xi32, #tpu.memory_space<hbm>>
      %dma_start3A_51 = arith.constant 0 : i32
      %dma_start3A_52 = tpu.memref_slice %arg5[%run_scoped3A_7, %dma_start3A_51] : memref<2x128xi32, #tpu.memory_space<vmem>> -> memref<1x128xi32, #tpu.memory_space<vmem>>
      %dma_start3A_53 = tpu.memref_squeeze %dma_start3A_52 : memref<1x128xi32, #tpu.memory_space<vmem>> -> memref<128xi32, #tpu.memory_space<vmem>>
      %dma_start3A_54 = tpu.memref_slice %arg3[%add3A_6] : memref<8192xi32, #tpu.memory_space<hbm>> -> memref<128xi32, #tpu.memory_space<hbm>>
      tpu.enqueue_dma source(%dma_start3A_54 : memref<128xi32, #tpu.memory_space<hbm>>) target(%dma_start3A_53 : memref<128xi32, #tpu.memory_space<vmem>>) target_semaphore(%run_scoped3A_46 : memref<!tpu.dma_semaphore, #tpu.memory_space<semaphore_mem>>)
      %dma_wait3A_55 = arith.constant 0 : i32
      %dma_wait3A_56 = tpu.memref_slice %arg5[%run_scoped3A_7, %dma_wait3A_55] : memref<2x128xi32, #tpu.memory_space<vmem>> -> memref<1x128xi32, #tpu.memory_space<vmem>>
      %dma_wait3A_57 = tpu.memref_squeeze %dma_wait3A_56 : memref<1x128xi32, #tpu.memory_space<vmem>> -> memref<128xi32, #tpu.memory_space<vmem>>
      %dma_wait3A_58 = tpu.memref_slice %arg3[%add3A_6] : memref<8192xi32, #tpu.memory_space<hbm>> -> memref<128xi32, #tpu.memory_space<hbm>>
      %dma_wait3A_59 = arith.constant 0 : i32
      %dma_wait3A_60 = tpu.memref_slice %arg5[%run_scoped3A_7, %dma_wait3A_59] : memref<2x128xi32, #tpu.memory_space<vmem>> -> memref<1x128xi32, #tpu.memory_space<vmem>>
      %dma_wait3A_61 = tpu.memref_squeeze %dma_wait3A_60 : memref<1x128xi32, #tpu.memory_space<vmem>> -> memref<128xi32, #tpu.memory_space<vmem>>
      %dma_wait3A_62 = tpu.memref_slice %arg3[%add3A_6] : memref<8192xi32, #tpu.memory_space<hbm>> -> memref<128xi32, #tpu.memory_space<hbm>>
      tpu.wait_dma2 semaphore(%run_scoped3A_46 : memref<!tpu.dma_semaphore, #tpu.memory_space<semaphore_mem>>) src(%dma_wait3A_62 : memref<128xi32, #tpu.memory_space<hbm>>) dst(%dma_wait3A_61 : memref<128xi32, #tpu.memory_space<vmem>>)
      tpu.yield
    }) : () -> ()
    %dma_start3A = arith.constant 0 : i32
    %dma_start3A_8 = arith.constant 0 : i32
    %dma_start3A_9 = arith.constant 0 : i32
    %dma_start3A_10 = tpu.memref_slice %arg6[%dma_start3A_8, %dma_start3A_9] : memref<256x32xf32, #tpu.memory_space<vmem>> -> memref<128x32xf32, #tpu.memory_space<vmem>>
    %dma_start3A_11 = arith.constant 0 : i32
    %dma_start3A_12 = tpu.memref_slice %arg5[%dma_start3A, %dma_start3A_11] : memref<2x128xi32, #tpu.memory_space<vmem>> -> memref<1x128xi32, #tpu.memory_space<vmem>>
    %dma_start3A_13 = tpu.memref_squeeze %dma_start3A_12 : memref<1x128xi32, #tpu.memory_space<vmem>> -> memref<128xi32, #tpu.memory_space<vmem>>
    %dma_start3A_14 = arith.constant 0 : i32
    %dma_start3A_15 = arith.constant 0 : i32
    %dma_start3A_16 = tpu.memref_slice %arg2[%dma_start3A_14, %dma_start3A_15] : memref<8192x32xf32, #tpu.memory_space<hbm>> -> memref<8192x32xf32, #tpu.memory_space<hbm>>
    tpu.enqueue_indirect_dma source(%dma_start3A_16 : memref<8192x32xf32, #tpu.memory_space<hbm>>) target(%dma_start3A_10 : memref<128x32xf32, #tpu.memory_space<vmem>>) offsets(%dma_start3A_13 : memref<128xi32, #tpu.memory_space<vmem>>) semaphore(%arg7 : memref<!tpu.dma_semaphore, #tpu.memory_space<semaphore_mem>>)
    %dma_wait3A = arith.constant 0 : i32
    %dma_wait3A_17 = arith.constant 0 : i32
    %dma_wait3A_18 = arith.constant 0 : i32
    %dma_wait3A_19 = tpu.memref_slice %arg6[%dma_wait3A_17, %dma_wait3A_18] : memref<256x32xf32, #tpu.memory_space<vmem>> -> memref<128x32xf32, #tpu.memory_space<vmem>>
    %dma_wait3A_20 = arith.constant 0 : i32
    %dma_wait3A_21 = tpu.memref_slice %arg5[%dma_wait3A, %dma_wait3A_20] : memref<2x128xi32, #tpu.memory_space<vmem>> -> memref<1x128xi32, #tpu.memory_space<vmem>>
    %dma_wait3A_22 = tpu.memref_squeeze %dma_wait3A_21 : memref<1x128xi32, #tpu.memory_space<vmem>> -> memref<128xi32, #tpu.memory_space<vmem>>
    %dma_wait3A_23 = arith.constant 0 : i32
    %dma_wait3A_24 = arith.constant 0 : i32
    %dma_wait3A_25 = tpu.memref_slice %arg2[%dma_wait3A_23, %dma_wait3A_24] : memref<8192x32xf32, #tpu.memory_space<hbm>> -> memref<8192x32xf32, #tpu.memory_space<hbm>>
    tpu.wait_indirect_dma semaphore(%arg7 : memref<!tpu.dma_semaphore, #tpu.memory_space<semaphore_mem>>) src(%dma_wait3A_25 : memref<8192x32xf32, #tpu.memory_space<hbm>>) dst(%dma_wait3A_19 : memref<128x32xf32, #tpu.memory_space<vmem>>)
    %dma_start3A_26 = arith.constant 1 : i32
    %dma_start3A_27 = arith.constant 128 : i32
    %dma_start3A_28 = arith.constant 0 : i32
    %dma_start3A_29 = tpu.memref_slice %arg6[%dma_start3A_27, %dma_start3A_28] : memref<256x32xf32, #tpu.memory_space<vmem>> -> memref<128x32xf32, #tpu.memory_space<vmem>>
    %dma_start3A_30 = arith.constant 0 : i32
    %dma_start3A_31 = tpu.memref_slice %arg5[%dma_start3A_26, %dma_start3A_30] : memref<2x128xi32, #tpu.memory_space<vmem>> -> memref<1x128xi32, #tpu.memory_space<vmem>>
    %dma_start3A_32 = tpu.memref_squeeze %dma_start3A_31 : memref<1x128xi32, #tpu.memory_space<vmem>> -> memref<128xi32, #tpu.memory_space<vmem>>
    %dma_start3A_33 = arith.constant 0 : i32
    %dma_start3A_34 = arith.constant 0 : i32
    %dma_start3A_35 = tpu.memref_slice %arg2[%dma_start3A_33, %dma_start3A_34] : memref<8192x32xf32, #tpu.memory_space<hbm>> -> memref<8192x32xf32, #tpu.memory_space<hbm>>
    tpu.enqueue_indirect_dma source(%dma_start3A_35 : memref<8192x32xf32, #tpu.memory_space<hbm>>) target(%dma_start3A_29 : memref<128x32xf32, #tpu.memory_space<vmem>>) offsets(%dma_start3A_32 : memref<128xi32, #tpu.memory_space<vmem>>) semaphore(%arg7 : memref<!tpu.dma_semaphore, #tpu.memory_space<semaphore_mem>>)
    %dma_wait3A_36 = arith.constant 1 : i32
    %dma_wait3A_37 = arith.constant 128 : i32
    %dma_wait3A_38 = arith.constant 0 : i32
    %dma_wait3A_39 = tpu.memref_slice %arg6[%dma_wait3A_37, %dma_wait3A_38] : memref<256x32xf32, #tpu.memory_space<vmem>> -> memref<128x32xf32, #tpu.memory_space<vmem>>
    %dma_wait3A_40 = arith.constant 0 : i32
    %dma_wait3A_41 = tpu.memref_slice %arg5[%dma_wait3A_36, %dma_wait3A_40] : memref<2x128xi32, #tpu.memory_space<vmem>> -> memref<1x128xi32, #tpu.memory_space<vmem>>
    %dma_wait3A_42 = tpu.memref_squeeze %dma_wait3A_41 : memref<1x128xi32, #tpu.memory_space<vmem>> -> memref<128xi32, #tpu.memory_space<vmem>>
    %dma_wait3A_43 = arith.constant 0 : i32
    %dma_wait3A_44 = arith.constant 0 : i32
    %dma_wait3A_45 = tpu.memref_slice %arg2[%dma_wait3A_43, %dma_wait3A_44] : memref<8192x32xf32, #tpu.memory_space<hbm>> -> memref<8192x32xf32, #tpu.memory_space<hbm>>
    tpu.wait_indirect_dma semaphore(%arg7 : memref<!tpu.dma_semaphore, #tpu.memory_space<semaphore_mem>>) src(%dma_wait3A_45 : memref<8192x32xf32, #tpu.memory_space<hbm>>) dst(%dma_wait3A_39 : memref<128x32xf32, #tpu.memory_space<vmem>>)
    "tpu.region"() ({
      %run_scoped3A_46 = tpu.sem_alloc : memref<!tpu.dma_semaphore, #tpu.memory_space<semaphore_mem>>
      %dma_start3A_47 = arith.constant 0 : i32
      %dma_start3A_48 = tpu.memref_slice %arg4[%mul3A_2, %dma_start3A_47] : memref<8192x32xf32, #tpu.memory_space<hbm>> -> memref<256x32xf32, #tpu.memory_space<hbm>>
      %dma_start3A_49 = arith.constant 0 : i32
      %dma_start3A_50 = tpu.memref_slice %arg4[%mul3A_2, %dma_start3A_49] : memref<8192x32xf32, #tpu.memory_space<hbm>> -> memref<256x32xf32, #tpu.memory_space<hbm>>
      tpu.enqueue_dma source(%arg6 : memref<256x32xf32, #tpu.memory_space<vmem>>) target(%dma_start3A_50 : memref<256x32xf32, #tpu.memory_space<hbm>>) target_semaphore(%run_scoped3A_46 : memref<!tpu.dma_semaphore, #tpu.memory_space<semaphore_mem>>)
      %dma_wait3A_51 = arith.constant 0 : i32
      %dma_wait3A_52 = tpu.memref_slice %arg4[%mul3A_2, %dma_wait3A_51] : memref<8192x32xf32, #tpu.memory_space<hbm>> -> memref<256x32xf32, #tpu.memory_space<hbm>>
      %dma_wait3A_53 = arith.constant 0 : i32
      %dma_wait3A_54 = tpu.memref_slice %arg4[%mul3A_2, %dma_wait3A_53] : memref<8192x32xf32, #tpu.memory_space<hbm>> -> memref<256x32xf32, #tpu.memory_space<hbm>>
      tpu.wait_dma2 semaphore(%run_scoped3A_46 : memref<!tpu.dma_semaphore, #tpu.memory_space<semaphore_mem>>) src(%arg6 : memref<256x32xf32, #tpu.memory_space<vmem>>) dst(%dma_wait3A_54 : memref<256x32xf32, #tpu.memory_space<hbm>>)
      tpu.yield
    }) : () -> ()
    return
  }
}

module attributes {stable_mosaic.version = 14 : i64} {
  func.func @_argmin_kernel(%arg0: i32, %arg1: memref<256x384xf32, #tpu.memory_space<vmem>>, %arg2: memref<384x32xf32, #tpu.memory_space<vmem>>, %arg3: memref<1x32xf32, #tpu.memory_space<vmem>>, %arg4: memref<32x8192xf32, #tpu.memory_space<vmem>>, %arg5: memref<1x1x256xi32, #tpu.memory_space<vmem>>) attributes {dimension_semantics = [#tpu.dimension_semantics<arbitrary>], iteration_bounds = array<i64: 32>, scalar_prefetch = 0 : i64, scratch_operands = 0 : i64, tpu.core_type = #tpu.core_type<tc>, window_params = [{transform_indices = @transform_0, window_bounds = array<i64: 256, 384>}, {pipeline_mode = #tpu.pipeline_mode<synchronous>, transform_indices = @transform_1, window_bounds = array<i64: 384, 32>}, {pipeline_mode = #tpu.pipeline_mode<synchronous>, transform_indices = @transform_2, window_bounds = array<i64: 1, 32>}, {pipeline_mode = #tpu.pipeline_mode<synchronous>, transform_indices = @transform_3, window_bounds = array<i64: 32, 8192>}, {transform_indices = @transform_4, window_bounds = array<i64: 1, 1, 256>}]} {
    %get3A = arith.constant 0 : index
    %get3A_0 = arith.constant 0 : index
    %get3A_1 = vector.load %arg1[%get3A, %get3A_0] : memref<256x384xf32, #tpu.memory_space<vmem>>, vector<256x384xf32>
    %get3A_2 = arith.constant 0 : index
    %get3A_3 = arith.constant 0 : index
    %get3A_4 = vector.load %arg2[%get3A_2, %get3A_3] : memref<384x32xf32, #tpu.memory_space<vmem>>, vector<384x32xf32>
    %dot_general3A = arith.constant dense<0.000000e+00> : vector<256x32xf32>
    %dot_general3A_5 = tpu.matmul %get3A_1, %get3A_4, %dot_general3A {dimension_numbers = #tpu.dot_dimension_numbers<[1], [0], [0], [1], [0, 0, 1, 1], [], []>, transpose_lhs_hint = false} : vector<256x384xf32>, vector<384x32xf32>, vector<256x32xf32> -> vector<256x32xf32>
    %get3A_6 = arith.constant 0 : index
    %get3A_7 = arith.constant 0 : index
    %get3A_8 = vector.load %arg3[%get3A_6, %get3A_7] : memref<1x32xf32, #tpu.memory_space<vmem>>, vector<1x32xf32>
    %add3A = vector.broadcast %get3A_8 : vector<1x32xf32> to vector<256x32xf32>
    %add3A_9 = arith.addf %dot_general3A_5, %add3A : vector<256x32xf32>
    %get3A_10 = arith.constant 0 : index
    %get3A_11 = arith.constant 0 : index
    %get3A_12 = vector.load %arg4[%get3A_10, %get3A_11] : memref<32x8192xf32, #tpu.memory_space<vmem>>, vector<32x8192xf32>
    %mul3A = arith.mulf %get3A_12, %get3A_12 : vector<32x8192xf32>
    %reduce_sum3A = arith.constant dense<0.000000e+00> : vector<8192xf32>
    %reduce_sum3A_13 = vector.multi_reduction <add>, %mul3A, %reduce_sum3A [0] : vector<32x8192xf32> to vector<8192xf32>
    %broadcast_in_dim3A = vector.shape_cast %reduce_sum3A_13 : vector<8192xf32> to vector<1x8192xf32>
    %mul3A_14 = arith.mulf %add3A_9, %add3A_9 : vector<256x32xf32>
    %reduce_sum3A_15 = arith.constant dense<0.000000e+00> : vector<256xf32>
    %reduce_sum3A_16 = vector.multi_reduction <add>, %mul3A_14, %reduce_sum3A_15 [1] : vector<256x32xf32> to vector<256xf32>
    %broadcast_in_dim3A_17 = vector.shape_cast %reduce_sum3A_16 : vector<256xf32> to vector<256x1xf32>
    %dot_general3A_18 = arith.constant dense<0.000000e+00> : vector<256x8192xf32>
    %dot_general3A_19 = tpu.matmul %add3A_9, %get3A_12, %dot_general3A_18 {dimension_numbers = #tpu.dot_dimension_numbers<[1], [0], [0], [1], [0, 0, 1, 1], [], []>, transpose_lhs_hint = false} : vector<256x32xf32>, vector<32x8192xf32>, vector<256x8192xf32> -> vector<256x8192xf32>
    %add3A_20 = vector.broadcast %broadcast_in_dim3A_17 : vector<256x1xf32> to vector<256x8192xf32>
    %add3A_21 = vector.broadcast %broadcast_in_dim3A : vector<1x8192xf32> to vector<256x8192xf32>
    %add3A_22 = arith.addf %add3A_20, %add3A_21 : vector<256x8192xf32>
    %mul3A_23 = arith.constant 2.000000e+00 : f32
    %mul3A_24 = vector.broadcast %mul3A_23 : f32 to vector<256x8192xf32>
    %mul3A_25 = arith.mulf %mul3A_24, %dot_general3A_19 : vector<256x8192xf32>
    %sub3A = arith.subf %add3A_22, %mul3A_25 : vector<256x8192xf32>
    %reduce_min3A = arith.constant dense<0x7F800000> : vector<256xf32>
    %reduce_min3A_26 = vector.multi_reduction <minimumf>, %sub3A, %reduce_min3A [1] : vector<256x8192xf32> to vector<256xf32>
    %broadcast_in_dim3A_27 = vector.shape_cast %reduce_min3A_26 : vector<256xf32> to vector<256x1xf32>
    %iota3A = tpu.iota {dimensions = array<i32: 1>} : vector<256x8192xi32>
    %eq3A = vector.broadcast %broadcast_in_dim3A_27 : vector<256x1xf32> to vector<256x8192xf32>
    %eq3A_28 = arith.cmpf oeq, %sub3A, %eq3A : vector<256x8192xf32>
    %jit3A = arith.constant 8192 : i32
    %broadcast_in_dim3A_29 = vector.broadcast %jit3A : i32 to vector<256x8192xi32>
    %select_n3A = arith.select %eq3A_28, %iota3A, %broadcast_in_dim3A_29 : vector<256x8192xi1>, vector<256x8192xi32>
    %reduce_min3A_30 = arith.constant dense<2147483647> : vector<256xi32>
    %reduce_min3A_31 = vector.multi_reduction <minsi>, %select_n3A, %reduce_min3A_30 [1] : vector<256x8192xi32> to vector<256xi32>
    %reshape3A = vector.shape_cast %reduce_min3A_31 : vector<256xi32> to vector<1x1x256xi32>
    %swap3A = arith.constant 0 : index
    %swap3A_32 = arith.constant 0 : index
    %swap3A_33 = arith.constant 0 : index
    %swap3A_34 = vector.load %arg5[%swap3A, %swap3A_32, %swap3A_33] : memref<1x1x256xi32, #tpu.memory_space<vmem>>, vector<1x1x256xi32>
    tpu.vector_store %arg5[%swap3A, %swap3A_32, %swap3A_33], %reshape3A {strides = array<i32>} : memref<1x1x256xi32, #tpu.memory_space<vmem>>, vector<1x1x256xi32>,
    return
  }
  func.func @transform_0(%arg0: i32) -> (i32, i32) {
    %c0_i32 = arith.constant 0 : i32
    %c0_i32_0 = arith.constant 0 : i32
    return %arg0, %c0_i32 : i32, i32
  }
  func.func @transform_1(%arg0: i32) -> (i32, i32) {
    %c0_i32 = arith.constant 0 : i32
    %c0_i32_0 = arith.constant 0 : i32
    %c0_i32_1 = arith.constant 0 : i32
    return %c0_i32, %c0_i32_0 : i32, i32
  }
  func.func @transform_2(%arg0: i32) -> (i32, i32) {
    %c0_i32 = arith.constant 0 : i32
    %c0_i32_0 = arith.constant 0 : i32
    %c0_i32_1 = arith.constant 0 : i32
    return %c0_i32, %c0_i32_0 : i32, i32
  }
  func.func @transform_3(%arg0: i32) -> (i32, i32) {
    %c0_i32 = arith.constant 0 : i32
    %c0_i32_0 = arith.constant 0 : i32
    %c0_i32_1 = arith.constant 0 : i32
    return %c0_i32, %c0_i32_0 : i32, i32
  }
  func.func @transform_4(%arg0: i32) -> (i32, i32, i32) {
    %c0_i32 = arith.constant 0 : i32
    %c0_i32_0 = arith.constant 0 : i32
    %c0_i32_1 = arith.constant 0 : i32
    return %arg0, %c0_i32, %c0_i32_0 : i32, i32, i32
  }
}

module attributes {stable_mosaic.version = 14 : i64} {
  func.func @_expand_kernel(%arg0: i32, %arg1: memref<1024x32xf32, #tpu.memory_space<vmem>>, %arg2: memref<1024x384xf32, #tpu.memory_space<vmem>>, %arg3: memref<384x32xf32, #tpu.memory_space<vmem>>, %arg4: memref<1x32xf32, #tpu.memory_space<vmem>>, %arg5: memref<32x384xf32, #tpu.memory_space<vmem>>, %arg6: memref<1x384xf32, #tpu.memory_space<vmem>>, %arg7: memref<1024x384xf32, #tpu.memory_space<vmem>>, %arg8: memref<1x1xf32, #tpu.memory_space<vmem>>) attributes {dimension_semantics = [#tpu.dimension_semantics<arbitrary>], iteration_bounds = array<i64: 8>, scalar_prefetch = 0 : i64, scratch_operands = 0 : i64, tpu.core_type = #tpu.core_type<tc>, window_params = [{transform_indices = @transform_0, window_bounds = array<i64: 1024, 32>}, {transform_indices = @transform_1, window_bounds = array<i64: 1024, 384>}, {pipeline_mode = #tpu.pipeline_mode<synchronous>, transform_indices = @transform_2, window_bounds = array<i64: 384, 32>}, {pipeline_mode = #tpu.pipeline_mode<synchronous>, transform_indices = @transform_3, window_bounds = array<i64: 1, 32>}, {pipeline_mode = #tpu.pipeline_mode<synchronous>, transform_indices = @transform_4, window_bounds = array<i64: 32, 384>}, {pipeline_mode = #tpu.pipeline_mode<synchronous>, transform_indices = @transform_5, window_bounds = array<i64: 1, 384>}, {transform_indices = @transform_6, window_bounds = array<i64: 1024, 384>}, {pipeline_mode = #tpu.pipeline_mode<synchronous>, transform_indices = @transform_7, window_bounds = array<i64: 1, 1>}]} {
    %get3A = arith.constant 0 : index
    %get3A_0 = arith.constant 0 : index
    %get3A_1 = vector.load %arg1[%get3A, %get3A_0] : memref<1024x32xf32, #tpu.memory_space<vmem>>, vector<1024x32xf32>
    %get3A_2 = arith.constant 0 : index
    %get3A_3 = arith.constant 0 : index
    %get3A_4 = vector.load %arg2[%get3A_2, %get3A_3] : memref<1024x384xf32, #tpu.memory_space<vmem>>, vector<1024x384xf32>
    %get3A_5 = arith.constant 0 : index
    %get3A_6 = arith.constant 0 : index
    %get3A_7 = vector.load %arg3[%get3A_5, %get3A_6] : memref<384x32xf32, #tpu.memory_space<vmem>>, vector<384x32xf32>
    %dot_general3A = arith.constant dense<0.000000e+00> : vector<1024x32xf32>
    %dot_general3A_8 = tpu.matmul %get3A_4, %get3A_7, %dot_general3A {dimension_numbers = #tpu.dot_dimension_numbers<[1], [0], [0], [1], [0, 0, 1, 1], [], []>, transpose_lhs_hint = false} : vector<1024x384xf32>, vector<384x32xf32>, vector<1024x32xf32> -> vector<1024x32xf32>
    %get3A_9 = arith.constant 0 : index
    %get3A_10 = arith.constant 0 : index
    %get3A_11 = vector.load %arg4[%get3A_9, %get3A_10] : memref<1x32xf32, #tpu.memory_space<vmem>>, vector<1x32xf32>
    %add3A = vector.broadcast %get3A_11 : vector<1x32xf32> to vector<1024x32xf32>
    %add3A_12 = arith.addf %dot_general3A_8, %add3A : vector<1024x32xf32>
    %sub3A = arith.subf %get3A_1, %add3A_12 : vector<1024x32xf32>
    %mul3A = arith.mulf %sub3A, %sub3A : vector<1024x32xf32>
    %reduce_sum3A = vector.shape_cast %mul3A : vector<1024x32xf32> to vector<1x1024x32xf32>
    %reduce_sum3A_13 = arith.constant dense<0.000000e+00> : vector<1xf32>
    %reduce_sum3A_14 = vector.multi_reduction <add>, %reduce_sum3A, %reduce_sum3A_13 [1, 2] : vector<1x1024x32xf32> to vector<1xf32>
    %reduce_sum3A_15 = vector.shape_cast %reduce_sum3A_14 : vector<1xf32> to vector<1x1x1xf32>
    %reduce_sum3A_16 = vector.extract %reduce_sum3A_15[0, 0, 0] : f32 from vector<1x1x1xf32>
    %mul3A_17 = arith.constant 1.14440918E-5 : f32
    %mul3A_18 = arith.mulf %mul3A_17, %reduce_sum3A_16 : f32
    %eq3A = arith.constant 0 : i32
    %eq3A_19 = arith.cmpi eq, %arg0, %eq3A : i32
    %convert_element_type3A = arith.extui %eq3A_19 : i1 to i32
    %cond3A = arith.constant 0 : i32
    %cond3A_20 = arith.cmpi ne, %convert_element_type3A, %cond3A : i32
    scf.if %cond3A_20 {
      %broadcast_in_dim3A = arith.constant 0.000000e+00 : f32
      %broadcast_in_dim3A_40 = vector.broadcast %broadcast_in_dim3A : f32 to vector<1x1xf32>
      %swap3A_41 = arith.constant 0 : index
      %swap3A_42 = arith.constant 0 : index
      %swap3A_43 = vector.load %arg8[%swap3A_41, %swap3A_42] : memref<1x1xf32, #tpu.memory_space<vmem>>, vector<1x1xf32>
      tpu.vector_store %arg8[%swap3A_41, %swap3A_42], %broadcast_in_dim3A_40 {strides = array<i32>} : memref<1x1xf32, #tpu.memory_space<vmem>>, vector<1x1xf32>,
    } else {
    }
    %get3A_21 = arith.constant 0 : index
    %get3A_22 = arith.constant 0 : index
    %get3A_23 = vector.load %arg8[%get3A_21, %get3A_22] : memref<1x1xf32, #tpu.memory_space<vmem>>, vector<1x1xf32>
    %reshape3A = vector.broadcast %mul3A_18 : f32 to vector<1x1xf32>
    %add3A_24 = arith.addf %get3A_23, %reshape3A : vector<1x1xf32>
    %swap3A = arith.constant 0 : index
    %swap3A_25 = arith.constant 0 : index
    %swap3A_26 = vector.load %arg8[%swap3A, %swap3A_25] : memref<1x1xf32, #tpu.memory_space<vmem>>, vector<1x1xf32>
    tpu.vector_store %arg8[%swap3A, %swap3A_25], %add3A_24 {strides = array<i32>} : memref<1x1xf32, #tpu.memory_space<vmem>>, vector<1x1xf32>,
    %get3A_27 = arith.constant 0 : index
    %get3A_28 = arith.constant 0 : index
    %get3A_29 = vector.load %arg5[%get3A_27, %get3A_28] : memref<32x384xf32, #tpu.memory_space<vmem>>, vector<32x384xf32>
    %dot_general3A_30 = arith.constant dense<0.000000e+00> : vector<1024x384xf32>
    %dot_general3A_31 = tpu.matmul %get3A_1, %get3A_29, %dot_general3A_30 {dimension_numbers = #tpu.dot_dimension_numbers<[1], [0], [0], [1], [0, 0, 1, 1], [], []>, transpose_lhs_hint = false} : vector<1024x32xf32>, vector<32x384xf32>, vector<1024x384xf32> -> vector<1024x384xf32>
    %get3A_32 = arith.constant 0 : index
    %get3A_33 = arith.constant 0 : index
    %get3A_34 = vector.load %arg6[%get3A_32, %get3A_33] : memref<1x384xf32, #tpu.memory_space<vmem>>, vector<1x384xf32>
    %add3A_35 = vector.broadcast %get3A_34 : vector<1x384xf32> to vector<1024x384xf32>
    %add3A_36 = arith.addf %dot_general3A_31, %add3A_35 : vector<1024x384xf32>
    %swap3A_37 = arith.constant 0 : index
    %swap3A_38 = arith.constant 0 : index
    %swap3A_39 = vector.load %arg7[%swap3A_37, %swap3A_38] : memref<1024x384xf32, #tpu.memory_space<vmem>>, vector<1024x384xf32>
    tpu.vector_store %arg7[%swap3A_37, %swap3A_38], %add3A_36 {strides = array<i32>} : memref<1024x384xf32, #tpu.memory_space<vmem>>, vector<1024x384xf32>,
    return
  }
  func.func @transform_0(%arg0: i32) -> (i32, i32) {
    %c0_i32 = arith.constant 0 : i32
    %c0_i32_0 = arith.constant 0 : i32
    return %arg0, %c0_i32 : i32, i32
  }
  func.func @transform_1(%arg0: i32) -> (i32, i32) {
    %c0_i32 = arith.constant 0 : i32
    %c0_i32_0 = arith.constant 0 : i32
    return %arg0, %c0_i32 : i32, i32
  }
  func.func @transform_2(%arg0: i32) -> (i32, i32) {
    %c0_i32 = arith.constant 0 : i32
    %c0_i32_0 = arith.constant 0 : i32
    %c0_i32_1 = arith.constant 0 : i32
    return %c0_i32, %c0_i32_0 : i32, i32
  }
  func.func @transform_3(%arg0: i32) -> (i32, i32) {
    %c0_i32 = arith.constant 0 : i32
    %c0_i32_0 = arith.constant 0 : i32
    %c0_i32_1 = arith.constant 0 : i32
    return %c0_i32, %c0_i32_0 : i32, i32
  }
  func.func @transform_4(%arg0: i32) -> (i32, i32) {
    %c0_i32 = arith.constant 0 : i32
    %c0_i32_0 = arith.constant 0 : i32
    %c0_i32_1 = arith.constant 0 : i32
    return %c0_i32, %c0_i32_0 : i32, i32
  }
  func.func @transform_5(%arg0: i32) -> (i32, i32) {
    %c0_i32 = arith.constant 0 : i32
    %c0_i32_0 = arith.constant 0 : i32
    %c0_i32_1 = arith.constant 0 : i32
    return %c0_i32, %c0_i32_0 : i32, i32
  }
  func.func @transform_6(%arg0: i32) -> (i32, i32) {
    %c0_i32 = arith.constant 0 : i32
    %c0_i32_0 = arith.constant 0 : i32
    return %arg0, %c0_i32 : i32, i32
  }
  func.func @transform_7(%arg0: i32) -> (i32, i32) {
    %c0_i32 = arith.constant 0 : i32
    %c0_i32_0 = arith.constant 0 : i32
    %c0_i32_1 = arith.constant 0 : i32
    return %c0_i32, %c0_i32_0 : i32, i32
  }
}

</mosaic_0001>

<sc_bundles>
// kernel: kernel.5.cloned.1.call-start
scs
__scs_entry_jumppad:
0x0: {  	(pc) =	sbr.rel $0x88, $3  }
0x1: {  	(tag) =	ssettag $0x0;
	lr =	simm.s32 $0x1  }
0x2: {  	[smem:$0x3F9B] =	sst lr;
	_ =	strace $0xD0000000  }
0x3: {  	_ = 	snop  }
0x4: {  	_ = 	snop  }
0x5: {  	_ = 	snop  }
0x6: {  	_ = 	snop  }
0x7: {  	_ = 	snop  }
__scs_overlays_trampoline_lowered:
0x8: {  	[smem:$0x3FAA] =	sst s0  }
0x9: {  	[smem:$0x3FAB] =	sst s1  }
0xa: {  	[smem:$0x3FAC] =	sst s2  }
0xb: {  	[smem:$0x3FAD] =	sst s3  }
0xc: {  	[smem:$0x3FAE] =	sst s4  }
0xd: {  	[smem:$0x3FAF] =	sst s5  }
0xe: {  	[smem:$0x3FB0] =	sst s6  }
0xf: {  	[smem:$0x3FB1] =	sst s7  }
0x10: {  	[smem:$0x3FB2] =	sst s8  }
0x11: {  	[smem:$0x3FB3] =	sst s9;
	s0 =	simm.s32 @!p0 $0x0  }
0x12: {  	s1 =	sld [smem:$0x3F99];
	s0 =	simm.s32 @p0 $0x1  }
0x13: {  	[smem:$0x3FB4] =	sst s0;
	s0 =	simm.s32 @!p1 $0x0  }
0x14: {  	s2 =	sld [smem:$0x3F98];
	s0 =	simm.s32 @p1 $0x1  }
0x15: {  	[smem:$0x3FB5] =	sst s0;
	s0 =	simm.s32 @!p2 $0x0  }
0x16: {  	s3 =	sld [smem:$0x3FDB];
	s0 =	simm.s32 @p2 $0x1  }
0x17: {  	s4 =	simm.s32 $0x1BF5;
	[smem:$0x3FB7] =	sst s0  }
0x18: {  	s0 =	sld [smem:$0x3F9A];
	_ =	swait.ge [sflag:s4], $0x0  }
0x19: {  	s7 =	sld [smem:$0x3F9B]  }
0x1a: {  	s8 =	sadd.s32 $0xFFFFE003, lr  }
0x1b: {  	s9 =	sadd.s32 $0xFFFFFEF7, lr;
	s5 =	simm.s32 $0xFFFFFFFF;
	p2 =	slt.u32 s8, $0xFFFFF086  }
0x1c: {  	p1 =	slt.u32 s9, $0xF7A;
	s5 =	simm.s32 @!p2 $0x0  }
0x1d: {  	s5 =	simm.s32 @p1 $0x1;
	p0 =	seq.s32 s7, s2  }
0x1e: {  	s7 =	smul.u32 @!p0 $0xF7A, s2;
	p2 =	seq.s32 @!p0 s5, $0x0  }
0x1f: {  	s9 =	smul.u32 $0xF7A, s1;
	s8 =	simm.s32 @!p0 $0x1BF5;
	p2 =	por !p2, p0  }
0x20: {  	[sflag:s8] =	ssyncset.s32 @!p0 $0xFFFFF086;
	s6 =	sadd.s32 @!p0 s3, s7;
	s7 =	simm.s32 @!p0 $0x108  }
0x21: {  	s3 =	sadd.s32 s3, s9;
	s6 =	sadd.s32 @!p0 $0x88, s6;
	s7 =	simm.s32 @p2 $0x1082  }
0x22: {  	[simem:s7], [sflag:s8] =	dma.local @!p0 [hbm:s6], $0xF7A  }
0x23: {  	s9 =	sor.u32 $0xD0000000, s2;
	s6 =	simm.s32 $0x108;
	_ =	swait.ge @!p0 [sflag:s8], $0x0  }
0x24: {  	s3 =	sadd.s32 $0x88, s3;
	s6 =	simm.s32 @!p1 $0x1082;
	[sflag:s4] =	ssyncset.s32 $0xFFFFF086  }
0x25: {  	[simem:s6], [sflag:s4] =	dma.local [hbm:s3], $0xF7A  }
0x26: {  	[smem:$0x3F9B] =	sst s1;
	(tag) =	ssettag s2;
	_ =	strace s9  }
0x27: {  	s1 =	sld [smem:$0x3FAB]  }
0x28: {  	s2 =	sld [smem:$0x3FAC]  }
0x29: {  	s4 =	sld [smem:$0x3FAE]  }
0x2a: {  	p0 =	seq.s32 s5, $0x0;
	s5 =	sld [smem:$0x3FAF]  }
0x2b: {  	s6 =	sld [smem:$0x3FB0]  }
0x2c: {  	s7 =	sld [smem:$0x3FB1]  }
0x2d: {  	s3 =	simm.s32 $0x108;
	s8 =	sld [smem:$0x3FB2]  }
0x2e: {  	s3 =	simm.s32 @!p0 $0x1082;
	s9 =	sld [smem:$0x3FB3]  }
0x2f: {  	lr =	sadd.s32 s0, s3;
	s0 =	sld [smem:$0x3FAA]  }
0x30: {  	s3 =	sld [smem:$0x3FAD]  }
0x31: {  	[smem:$0x3FB6] =	sst s10  }
0x32: {  	s10 =	sld [smem:$0x3FB4];
	_ =	sdelay $0x3  }
0x33: {  	p0 =	seq.s32 s10, $0x1;
	s10 =	sld [smem:$0x3FB6];
	_ =	sdelay $0x3  }
0x34: {  	[smem:$0x3FB6] =	sst s10  }
0x35: {  	s10 =	sld [smem:$0x3FB5];
	_ =	sdelay $0x3  }
0x36: {  	p1 =	seq.s32 s10, $0x1;
	s10 =	sld [smem:$0x3FB6];
	_ =	sdelay $0x3  }
0x37: {  	[smem:$0x3FB6] =	sst s10  }
0x38: {  	s10 =	sld [smem:$0x3FB7]  }
0x39: {  	_ = 	snop;
	(pc) =	sbr.ind lr, $3  }
0x3a: {  	_ = 	snop  }
0x3b: {  	_ = 	snop  }
0x3c: {  	p2 =	seq.s32 s10, $0x1;
	s10 =	sld [smem:$0x3FB6]  }
0x3d: {  	_ =	shalt  }
0x3e: {  	_ =	shalt  }
0x3f: {  	_ =	shalt  }
0x40: {  	_ =	shalt  }
0x41: {  	_ =	shalt  }
0x42: {  	_ =	shalt  }
0x43: {  	_ =	shalt  }
0x44: {  	_ =	shalt  }
0x45: {  	_ =	shalt  }
0x46: {  	_ =	shalt  }
0x47: {  	_ =	shalt  }
0x48: {  	_ =	shalt  }
0x49: {  	_ =	shalt  }
0x4a: {  	_ =	shalt  }
0x4b: {  	_ =	shalt  }
0x4c: {  	_ =	shalt  }
0x4d: {  	_ =	shalt  }
0x4e: {  	_ =	shalt  }
0x4f: {  	_ =	shalt  }
0x50: {  	_ =	shalt  }
0x51: {  	_ =	shalt  }
0x52: {  	_ =	shalt  }
0x53: {  	_ =	shalt  }
0x54: {  	_ =	shalt  }
0x55: {  	_ =	shalt  }
0x56: {  	_ =	shalt  }
0x57: {  	_ =	shalt  }
0x58: {  	_ =	shalt  }
0x59: {  	_ =	shalt  }
0x5a: {  	_ =	shalt  }
0x5b: {  	_ =	shalt  }
0x5c: {  	_ =	shalt  }
0x5d: {  	_ =	shalt  }
0x5e: {  	_ =	shalt  }
0x5f: {  	_ =	shalt  }
0x60: {  	_ =	shalt  }
0x61: {  	_ =	shalt  }
0x62: {  	_ =	shalt  }
0x63: {  	_ =	shalt  }
0x64: {  	_ =	shalt  }
0x65: {  	_ =	shalt  }
0x66: {  	_ =	shalt  }
0x67: {  	_ =	shalt  }
0x68: {  	_ =	shalt  }
0x69: {  	_ =	shalt  }
0x6a: {  	_ =	shalt  }
0x6b: {  	_ =	shalt  }
0x6c: {  	_ =	shalt  }
0x6d: {  	_ =	shalt  }
0x6e: {  	_ =	shalt  }
0x6f: {  	_ =	shalt  }
0x70: {  	_ =	shalt  }
0x71: {  	_ =	shalt  }
0x72: {  	_ =	shalt  }
0x73: {  	_ =	shalt  }
0x74: {  	_ =	shalt  }
0x75: {  	_ =	shalt  }
0x76: {  	_ =	shalt  }
0x77: {  	_ =	shalt  }
0x78: {  	_ =	shalt  }
0x79: {  	_ =	shalt  }
0x7a: {  	_ =	shalt  }
0x7b: {  	_ =	shalt  }
0x7c: {  	_ =	shalt  }
0x7d: {  	_ =	shalt  }
0x7e: {  	_ =	shalt  }
0x7f: {  	_ =	shalt  }
0x80: {  	_ =	shalt  }
0x81: {  	_ =	shalt  }
0x82: {  	_ =	shalt  }
0x83: {  	_ =	shalt  }
0x84: {  	_ =	shalt  }
0x85: {  	_ =	shalt  }
0x86: {  	_ =	shalt  }
0x87: {  	_ =	shalt  }
.Lfunc_end0:
.L_simem_size_0:
called_computation_lowered:
.L_overlay_start_0:
0x88: {  	s2 =	sld [smem:$0x3FD9]  }
0x89: {  	s3 =	sld [smem:$0x3FFE];
	_ =	sdelay $0x1  }
0x8a: {  	s1 =	srdreg.scid  }
0x8b: {  	s0 =	sand.u32 $0x1, s1  }
0x8c: {  	s14 =	sshll.u32 s0, $0xA;
	s2 =	sadd.s32 s3, s2  }
0x8d: {  	s2 =	sadd.s32 s2, s14  }
0x8e: {  	[smem:$0x3FC2] =	sst s2  }
0x8f: {  	_ = 	snop  }
0x90: {  	s2 =	sld [smem:$0x3FD0];
	_ =	sdelay $0x2  }
0x91: {  	s15 =	simm.s32 $0xA;
	s4 =	simm.s32 $0x10  }
0x92: {  	[smem:s4], [sflag:s15] =	dma.local [hbm:s2], $0x1  }
0x93: {  	_ =	swait.eq [sflag:s15], $0x1  }
0x94: {  	[sflag:s15] =	ssyncset.done $0x0  }
0x95: {  	[sflag:s15] =	ssyncadd.s32 $0xFFFFFFFF  }
0x96: {  	s16 =	sld [smem:$0x10];
	(tm) =	ssettm $0x1  }
0x97: {  	s17 =	sld [smem:$0x3FFB];
	_ =	sdelay $0x3  }
0x98: {  	_ =	strace s17  }
0x99: {  	s3 =	sld [smem:$0x3FFC];
	_ =	sdelay $0x3  }
0x9a: {  	_ =	strace s3  }
0x9b: {  	s3 =	sld [smem:$0x3FFD];
	_ =	sdelay $0x3  }
0x9c: {  	_ =	strace s3  }
0x9d: {  	_ =	strace $0x8FFFFFFF  }
0x9e: {  	s18 =	sld [smem:$0x3FDB];
	_ =	sdelay $0x1  }
0x9f: {  	s19 =	simm.s32 $_scs_section_size  }
0xa0: {  	s5 =	simm.s32 $_size__tile_overlayer_lowered;
	s6 =	simm.s32 $_tile_overlayer_lowered  }
0xa1: {  	s22 =	simm.s32 $0x1BFF;
	s21 =	sshll.u32 s6, $0x1;
	s3 =	sadd.s32 s19, s18  }
0xa2: {  	s7 =	simm.s32 $0x0;
	s20 =	sshll.u32 s5, $0x1;
	s5 =	sadd.s32 s21, s3  }
0xa3: {  	[timem:s7], [sflag:s22] =	dma.local [hbm:s5], s20  }
0xa4: {  	_ =	swait.ge [sflag:s22], s20  }
0xa5: {  	s4 =	ssub.s32 $0x0, s20;
	[sflag:s22] =	ssyncset.done $0x0  }
0xa6: {  	[sflag:s22] =	ssyncadd.s32 s4;
	_ =	sdelay $0x1  }
0xa7: {  	s23 =	simm.s32 $0x1B8B  }
0xa8: {  	_ =	swait.ge [sflag:s23], $0x1  }
0xa9: {  	[sflag:s23] =	ssyncset.done $0x0  }
0xaa: {  	s25 =	simm.s32 $0x1B8E;
	s24 =	sld [smem:$0x3FFE];
	[sflag:s23] =	ssyncadd.s32 $0xFFFFFFFF  }
0xab: {  	s26 =	simm.s32 $execute0_lowered;
	[smem:$0x3FD2] =	sst s25  }
0xac: {  	s5 =	sshll.u32 s26, $0x1;
	_ =	strace $0x80000046;
	[dreg:$0x1] =	wrdreg $0xFFFFFFFF  }
0xad: {  	s28 =	simm.s32 $_size_execute0_lowered;
	s3 =	sadd.s32 s3, s5;
	[dreg:$0x0] =	wrdreg $0x0  }
0xae: {  	s5 =	sshll.u32 s28, $0x1;
	[dreg:$0x2] =	wrdreg s3  }
0xaf: {  	[dreg:$0x3] =	wrdreg s5  }
0xb0: {  	[dreg:$0x4] =	wrdreg $0xC0  }
0xb1: {  	_ =	task [dreg:s7], $0x5FFFF  }
0xb2: {  	[dreg:$0x1] =	wrdreg $0xFFFFFFFF  }
0xb3: {  	[dreg:$0x0] =	wrdreg $0x60  }
0xb4: {  	[dreg:$0x2] =	wrdreg s16  }
0xb5: {  	[dreg:$0x3] =	wrdreg s24  }
0xb6: {  	[dreg:$0x4] =	wrdreg $0x9  }
0xb7: {  	_ =	task.clear_ibuf [dreg:s7], $0x5FFFF;
	_ =	strace $0x90000046  }
0xb8: {  	s29 =	simm.s32 $0x9;
	_ =	strace $0x80000048  }
0xb9: {  	_ =	swait.ge [sflag:s29], $0x1  }
0xba: {  	[sflag:s29] =	ssyncadd.s32 $0xFFFFFFFF  }
0xbb: {  	_ =	strace $0x90000048  }
0xbc: {  	_ =	sfence  }
0xbd: {  	s30 =	sld [smem:$0x0];
	_ =	sdelay $0x2  }
0xbe: {  	s31 =	sshll.u32 s1, $0xD;
	s1 =	sshrl.u32 s1, $0x2  }
0xbf: {  	s3 =	sand.u32 $0x4000, s31;
	s1 =	sadd.s32 s1, s30  }
0xc0: {  	s0 =	sor.u32 s3, s0;
	s1 =	sshll.u32 s1, $0x11  }
0xc1: {  	s0 =	sor.u32 s1, s0  }
0xc2: {  	s0 =	sadd.s32 $0x8F2B, s0  }
0xc3: {  	[sflag:s0] =	ssyncadd.remote.s32 $0x1  }
0xc4: {  	_ =	sfence.sel $0xFFFF  }
0xc5: {  	[dreg:$0x0] =	wrdreg $0xFFFFFFFF;
	(pc) =	sbr.abs _section_cstart, $3  }
0xc6: {  	[dreg:$0x1] =	wrdreg $0xFFFFFFFF  }
0xc7: {  	_ =	task.clear_ibuf [dreg:s7], $0x2FFFF;
	_ =	strace $0x9FFFFFFF  }
0xc8: {  	(tm) =	ssettm $0x7FFFFFFF  }
0xc9: {  	_ =	shalt  }
tec
execute0_lowered:
.L_overlay_start_1:
0x0: {  	(tag) =	ssettag $0x1  }
0x1: {  	s1 =	srdreg.scid  }
0x2: {  	s0 =	stileid.u32;
	s10 =	sand.u32 $0x1, s1  }
0x3: {  	s2 =	rddreg [dreg:$0x0];
	s30 =	sshll.u32 s0, $0x9;
	s3 =	sshll.u32 s10, $0x8  }
0x4: {  	s11 =	rddreg [dreg:$0x1];
	s12 =	sor.u32 s3, s30  }
0x5: {  	s1 =	rddreg [dreg:$0x2];
	s3 =	simm.s32 $0x0;
	s4 =	sshrl.u32 s12, $0x3  }
0x6: {  	[smem:$0x7FF] =	sst s3;
	s6 =	sadd.s32 s4, s11  }
0x7: {  	_ =	strace $0x80000047;
	s4 =	simm.s32 $0x2;
	s5 =	sadd.s32 $0x2000, s6  }
0x8: {  	[tilespmem:s3], [sflag:$0x2] =	stream.linear.gather [hbm4b:s5+s3], $0x80, $0x38;
	[tilespmem:$0x2100] =	vst v63  }
0x9: {  	_ =	swait.ge [sflag:s4], $0x80  }
0xa: {  	[sflag:s4] =	ssyncset.done $0x0  }
0xb: {  	s7 =	simm.s32 $0x80;
	s6 =	sadd.s32 $0x2010, s6;
	[sflag:s4] =	ssyncadd.s32 $0xFFFFFF80  }
0xc: {  	[tilespmem:s7], [sflag:$0x2] =	stream.linear.gather [hbm4b:s6+s3], $0x80, $0x38;
	[tilespmem:$0x2100] =	vst v63  }
0xd: {  	_ =	swait.ge [sflag:s4], $0x80  }
0xe: {  	s8 =	simm.s32 $0x100;
	[sflag:s4] =	ssyncset.done $0x0  }
0xf: {  	s9 =	simm.s32 $0x1;
	s13 =	ssub.s32 $0x2, s10;
	[sflag:s4] =	ssyncadd.s32 $0xFFFFFF80  }
0x10: {  	[tilespmem:s8], [sflag:$0x1] =	stream.indirect.gather [hbm4b:s2+s7], $0x20, s3, s7, $0xb8;
	[tilespmem:$0x2100] =	vst v63  }
0x11: {  	s10 =	simm.s32 $0x1100;
	s14 =	sshrl.u32 s13, $0x1;
	_ =	swait.ge [sflag:s9], $0x1000  }
0x12: {  	s12 =	sshll.u32 s12, $0x2;
	s31 =	ssub.s32 s13, s14;
	[sflag:s9] =	ssyncset.done $0x0  }
0x13: {  	s11 =	sadd.s32 s12, s11;
	s12 =	smax.u32 s31, $0x1;
	[sflag:s9] =	ssyncadd.s32 $0xFFFFF000  }
0x14: {  	[tilespmem:s10], [sflag:$0x1] =	stream.indirect.gather [hbm4b:s2+s7], $0x20, s7, s7, $0xb8;
	[tilespmem:$0x2100] =	vst v63  }
0x15: {  	p0 =	sne.s32 s12, $0x1;
	_ =	swait.ge [sflag:s9], $0x1000  }
.Ltmp0:
0x16: {  	[sflag:s9] =	ssyncset.done $0x0;
	(pc) =	sbr.rel @!p0 .LBB2_2-.Ltmp0, $4  }
0x17: {  	s11 =	sadd.s32 $0x2400, s11;
	[sflag:s9] =	ssyncadd.s32 $0xFFFFF000  }
0x18: {  	[hbm4b:s11+s3] =	stream.linear.scatter [tilespmem:s8], [sflag:$0x2], $0x2000, $0x38;
	[tilespmem:$0x2100] =	vst v63  }
0x19: {  	_ =	swait.ge [sflag:s4], $0x2000  }
0x1a: {  	s12 =	sadd.s32 $0xFFFFFFFF, s12;
	[sflag:s4] =	ssyncset.done $0x0  }
.LBB2_1:
0x1b: {  	p0 =	sne.s32 s12, $0x1;
	s12 =	sadd.s32 $0xFFFFFFFF, s12;
	[sflag:s4] =	ssyncadd.s32 $0xFFFFE000  }
0x1c: {  	[tilespmem:s3], [sflag:$0x2] =	stream.linear.gather [hbm4b:s5+s3], $0x80, $0x38;
	[tilespmem:$0x2100] =	vst v63  }
0x1d: {  	_ =	swait.ge [sflag:s4], $0x80  }
0x1e: {  	[sflag:s4] =	ssyncset.done $0x0  }
0x1f: {  	[sflag:s4] =	ssyncadd.s32 $0xFFFFFF80  }
0x20: {  	[tilespmem:s7], [sflag:$0x2] =	stream.linear.gather [hbm4b:s6+s3], $0x80, $0x38;
	[tilespmem:$0x2100] =	vst v63  }
0x21: {  	_ =	swait.ge [sflag:s4], $0x80  }
0x22: {  	[sflag:s4] =	ssyncset.done $0x0  }
0x23: {  	[sflag:s4] =	ssyncadd.s32 $0xFFFFFF80  }
0x24: {  	[tilespmem:s8], [sflag:$0x1] =	stream.indirect.gather [hbm4b:s2+s7], $0x20, s3, s7, $0xb8;
	[tilespmem:$0x2100] =	vst v63  }
0x25: {  	_ =	swait.ge [sflag:s9], $0x1000  }
0x26: {  	[sflag:s9] =	ssyncset.done $0x0  }
0x27: {  	[sflag:s9] =	ssyncadd.s32 $0xFFFFF000  }
0x28: {  	[tilespmem:s10], [sflag:$0x1] =	stream.indirect.gather [hbm4b:s2+s7], $0x20, s7, s7, $0xb8;
	[tilespmem:$0x2100] =	vst v63  }
0x29: {  	_ =	swait.ge [sflag:s9], $0x1000  }
.Ltmp1:
0x2a: {  	[sflag:s9] =	ssyncset.done $0x0;
	(pc) =	sbr.rel @p0 .LBB2_1-.Ltmp1, $4  }
0x2b: {  	[sflag:s9] =	ssyncadd.s32 $0xFFFFF000  }
0x2c: {  	[hbm4b:s11+s3] =	stream.linear.scatter [tilespmem:s8], [sflag:$0x2], $0x2000, $0x38;
	[tilespmem:$0x2100] =	vst v63  }
0x2d: {  	_ =	swait.ge [sflag:s4], $0x2000  }
0x2e: {  	[sflag:s4] =	ssyncset.done $0x0  }
.LBB2_2:
0x2f: {  	[sflag:s4] =	ssyncadd.s32 $0xFFFFE000  }
0x30: {  	_ =	sfence.sel $0x180000  }
0x31: {  	[bflag:$0x0] =	sbarrier.arrive $0xFFFF  }
0x32: {  	p0 =	sne.s32 s0, $0x0;
	_ =	strace $0x90000047  }
0x33: {  	s0 =	sadd.s32 @!p0 $0x100000, s1;
	[bflag:$0x2] =	sbarrier.arrive $0xFFFF  }
0x34: {  	[sflag:s0] =	ssyncadd.tile.s32 @!p0 $0x1;
	_ =	shalt  }
.Lfunc_end2:
_tile_overlayer_lowered:
.L_overlay_start_2:
0x35: {  	(tag) =	ssettag $0x2  }
0x36: {  	s0 =	rddreg [dreg:$0x0];
	s2 =	stileid.u32  }
0x37: {  	s1 =	rddreg [dreg:$0x1];
	p0 =	sne.s32 s2, $0x0  }
0x38: {  	s3 =	rddreg [dreg:$0x2];
	[bflag:$0x3] =	sbarrier.arrive $0xFFFF;
	s2 =	simm.s32 @!p0 $0x1C02  }
0x39: {  	[timem:s3], [sflag:s2] =	dma.local @!p0 [hbm:s0], s1  }
0x3a: {  	s0 =	simm.s32 @!p0 $0x2  }
0x3b: {  	_ =	swait.ge @!p0 [sflag:s0], s1  }
0x3c: {  	s1 =	ssub.s32 @!p0 $0x0, s1;
	[sflag:s0] =	ssyncset.done @!p0 $0x0  }
0x3d: {  	[sflag:s0] =	ssyncadd.s32 @!p0 s1  }
0x3e: {  	[bflag:$0x3] =	sbarrier.arrive $0xFFFF  }
0x3f: {  	_ =	shalt  }

</sc_bundles>
